<compile_context>
chip_gen: v7x
topology: tpu7x:2x2x1
jax: 0.10.2.dev20260603
libtpu: 0.0.44.dev20260713+nightly
codegen_flags: <defaults>
</compile_context>

<pallas_src>
import functools

import jax
import jax.numpy as jnp
from jax import lax
from jax.experimental import pallas as pl
from jax.experimental.pallas import tpu as pltpu
from jax.experimental.pallas import tpu_sc as plsc

K = 64
L = 8192
ROWW = 128


def _digamma(x):
    acc = jnp.float32(0)
    for i in range(6):
        acc = acc + 1.0 / (x + jnp.float32(i))
    z = x + jnp.float32(6)
    zi = 1.0 / z
    zi2 = zi * zi
    psi = jnp.log(z) - 0.5 * zi - zi2 * (
        jnp.float32(1 / 12) - zi2 * (jnp.float32(1 / 120) - zi2 * jnp.float32(1 / 252))
    )
    return psi - acc


def _combine_body(b0_ref, b1_ref, g1_ref, g2_ref, w_ref, out_ref):
    b0 = b0_ref[...]
    b1 = b1_ref[...]
    d0 = _digamma(b0)
    d1 = _digamma(b1)
    dn = _digamma(b0 + b1)
    a = d0 - d1
    b = d1 - dn
    w = w_ref[...]
    mask = (w > 0).astype(jnp.float32)
    g1 = g1_ref[...][:, :K]
    g2 = g2_ref[...][:, :K]
    dims = (((0,), (0,)), ((), ()))
    m0 = lax.dot_general(g1 * mask, g2, dims, preferred_element_type=jnp.float32)
    mt = lax.dot_general(g1, g2, dims, preferred_element_type=jnp.float32)
    out_ref[...] = (jnp.sum(a * m0) + jnp.sum(b * mt)).reshape(1, 1)


def _make_gather(nw, rows_per_w):
    mesh = plsc.VectorSubcoreMesh(core_axis_name="c", subcore_axis_name="s")

    @functools.partial(
        pl.kernel,
        mesh=mesh,
        out_type=jax.ShapeDtypeStruct((nw, rows_per_w, ROWW), jnp.float32),
        scratch_types=[
            pltpu.VMEM((rows_per_w,), jnp.int32),
            pltpu.VMEM((rows_per_w, ROWW), jnp.float32),
            pltpu.SemaphoreType.DMA,
        ],
        compiler_params=pltpu.CompilerParams(use_tc_tiling_on_sc=True),
    )
    def gather_kernel(idx_hbm, table_hbm, out_hbm, idx_v, rows_v, sem):
        nc = lax.axis_size("c")
        wid = lax.axis_index("s") * nc + lax.axis_index("c")
        pltpu.sync_copy(idx_hbm.at[wid], idx_v)
        pltpu.async_copy(table_hbm.at[idx_v], rows_v, sem).wait()
        pltpu.sync_copy(rows_v, out_hbm.at[wid])

    return gather_kernel


def kernel(B_x, eta_x, idx1, idx2, weights):
    info = plsc.get_sparse_core_info()
    nw = info.num_cores * info.num_subcores
    n = eta_x.shape[1]
    table = jnp.zeros((n, ROWW), jnp.float32).at[:, :K].set(eta_x.T)
    idx_all = jnp.concatenate([idx1, idx2]).astype(jnp.int32)
    rows_per_w = (2 * L) // nw
    idx_2d = idx_all.reshape(nw, rows_per_w)

    gathered = _make_gather(nw, rows_per_w)(idx_2d, table)
    rows = gathered.reshape(2 * L, ROWW)

    out = pl.pallas_call(
        _combine_body,
        grid=(1,),
        in_specs=[
            pl.BlockSpec((K, K), lambda i: (0, 0)),
            pl.BlockSpec((K, K), lambda i: (0, 0)),
            pl.BlockSpec((L, ROWW), lambda i: (0, 0)),
            pl.BlockSpec((L, ROWW), lambda i: (1, 0)),
            pl.BlockSpec((L, 1), lambda i: (0, 0)),
        ],
        out_specs=pl.BlockSpec((1, 1), lambda i: (0, 0)),
        out_shape=jax.ShapeDtypeStruct((1, 1), jnp.float32),
    )(B_x[:, :, 0], B_x[:, :, 1], rows, rows, weights.reshape(L, 1))
    return out[0, 0]

# --- scband reference (transcript-rebuilt; emitter-appended) ---
"""Pipeline reference for scband-vi-rg-18562848653889 (READ-ONLY COPY).

The authoritative reference and input builder live on the scoring server;
editing this copy changes nothing except your own understanding.
"""

import jax, jax.numpy as jnp
import numpy as np


def setup_inputs(seed: int = 0) -> dict:
    key = jax.random.key(seed)
    k1, k2, k3, k4, k5 = jax.random.split(key, 5)
    K = 64
    N = 50000
    L = 8192
    B_x = jax.random.uniform(k1, (K, K, 2), dtype=jnp.float32)
    eta_x = jax.random.uniform(k2, (K, N), dtype=jnp.float32)
    idx1 = jax.random.randint(k3, (L,), 0, N)
    idx2 = jax.random.randint(k4, (L,), 0, N)
    weights = jax.random.normal(k5, (L,), dtype=jnp.float32)
    return {"B_x": B_x, "eta_x": eta_x, "idx1": idx1, "idx2": idx2, "weights": weights}


def reference(B_x, eta_x, idx1, idx2, weights):
    # Faithful translation of VI_RG.omega (the analytic ELBO edge-likelihood term,
    # i.e. the concrete loss computation of this variational-inference module).
    # edges = 1[weight > 0]
    edges = jnp.where(weights > 0, jnp.ones_like(weights), jnp.zeros_like(weights))
    # c = 0 where edge present, 1 where absent (selects Beta pseudo-count column)
    c = jnp.where(edges == 1.0, jnp.zeros_like(weights, dtype=jnp.int32), jnp.ones_like(weights, dtype=jnp.int32))
    digB = jax.scipy.special.digamma(B_x)                      # (K, K, 2)
    norm = jax.scipy.special.digamma(B_x.sum(axis=2))          # (K, K)
    # log_pA[k, m, l] = digamma(B[k, m, c_l]) - digamma(B[k, m].sum())
    log_pA = digB[:, :, c] - norm[:, :, None]                  # (K, K, L)
    # temp = mul(eta[:, idx1].unsqueeze(0), eta[:, idx2].unsqueeze(1)).transpose(0, 1)
    e1 = eta_x[:, idx1]                                        # (K, L)
    e2 = eta_x[:, idx2]                                        # (K, L)
    temp = jnp.transpose(e1[None, :, :] * e2[:, None, :], (1, 0, 2))  # (K, K, L)
    return jnp.sum(log_pA * temp)

if __name__ == "__main__":
    import jax
    _d = setup_inputs()
    print(jax.jit(kernel)(*tuple(_d.values())))

</pallas_src>

<mosaic_0001>
#map = affine_map<(d0, d1) -> (0, 0)>
#map1 = affine_map<(d0, d1) -> (0, 0, 0)>
module attributes {stable_mosaic.version = 14 : i64} {
  func.func @gather_kernel(%arg0: i32, %arg1: i32, %arg2: memref<32x512xi32, #tpu.memory_space<hbm>>, %arg3: memref<50000x128xf32, #tpu.memory_space<hbm>>, %arg4: memref<32x512x128xf32, #tpu.memory_space<hbm>>, %arg5: memref<512xi32, #tpu.memory_space<vmem>>, %arg6: memref<512x128xf32, #tpu.memory_space<vmem>>, %arg7: memref<!tpu.dma_semaphore, #tpu.memory_space<semaphore_mem>>) attributes {dimension_semantics = [#tpu.dimension_semantics<core_parallel>, #tpu.dimension_semantics<subcore_parallel>], iteration_bounds = array<i64: 2, 16>, scalar_prefetch = 0 : i64, scratch_operands = 3 : i64, tpu.core_type = #tpu.core_type<sc_vector_subcore>, window_params = [{transform_indices = #map}, {transform_indices = #map}, {transform_indices = #map1}]} {
    %mul3A = arith.constant 2 : i32
    %mul3A_0 = arith.muli %arg1, %mul3A : i32
    %add3A = arith.addi %mul3A_0, %arg0 : i32
    "tpu.region"() ({
      %run_scoped3A = tpu.sem_alloc : memref<!tpu.dma_semaphore, #tpu.memory_space<semaphore_mem>>
      %dma_start3A_5 = arith.constant 0 : i32
      %dma_start3A_6 = tpu.memref_slice %arg2[%add3A, %dma_start3A_5] : memref<32x512xi32, #tpu.memory_space<hbm>> -> memref<1x512xi32, #tpu.memory_space<hbm>>
      %dma_start3A_7 = tpu.memref_squeeze %dma_start3A_6 : memref<1x512xi32, #tpu.memory_space<hbm>> -> memref<512xi32, #tpu.memory_space<hbm>>
      %dma_start3A_8 = arith.constant 0 : i32
      %dma_start3A_9 = tpu.memref_slice %arg2[%add3A, %dma_start3A_8] : memref<32x512xi32, #tpu.memory_space<hbm>> -> memref<1x512xi32, #tpu.memory_space<hbm>>
      %dma_start3A_10 = tpu.memref_squeeze %dma_start3A_9 : memref<1x512xi32, #tpu.memory_space<hbm>> -> memref<512xi32, #tpu.memory_space<hbm>>
      tpu.enqueue_dma source(%dma_start3A_10 : memref<512xi32, #tpu.memory_space<hbm>>) target(%arg5 : memref<512xi32, #tpu.memory_space<vmem>>) target_semaphore(%run_scoped3A : memref<!tpu.dma_semaphore, #tpu.memory_space<semaphore_mem>>)
      %dma_wait3A_11 = arith.constant 0 : i32
      %dma_wait3A_12 = tpu.memref_slice %arg2[%add3A, %dma_wait3A_11] : memref<32x512xi32, #tpu.memory_space<hbm>> -> memref<1x512xi32, #tpu.memory_space<hbm>>
      %dma_wait3A_13 = tpu.memref_squeeze %dma_wait3A_12 : memref<1x512xi32, #tpu.memory_space<hbm>> -> memref<512xi32, #tpu.memory_space<hbm>>
      %dma_wait3A_14 = arith.constant 0 : i32
      %dma_wait3A_15 = tpu.memref_slice %arg2[%add3A, %dma_wait3A_14] : memref<32x512xi32, #tpu.memory_space<hbm>> -> memref<1x512xi32, #tpu.memory_space<hbm>>
      %dma_wait3A_16 = tpu.memref_squeeze %dma_wait3A_15 : memref<1x512xi32, #tpu.memory_space<hbm>> -> memref<512xi32, #tpu.memory_space<hbm>>
      tpu.wait_dma2 semaphore(%run_scoped3A : memref<!tpu.dma_semaphore, #tpu.memory_space<semaphore_mem>>) src(%dma_wait3A_16 : memref<512xi32, #tpu.memory_space<hbm>>) dst(%arg5 : memref<512xi32, #tpu.memory_space<vmem>>)
      tpu.yield
    }) : () -> ()
    %dma_start3A = arith.constant 0 : i32
    %dma_start3A_1 = arith.constant 0 : i32
    %dma_start3A_2 = tpu.memref_slice %arg3[%dma_start3A, %dma_start3A_1] : memref<50000x128xf32, #tpu.memory_space<hbm>> -> memref<50000x128xf32, #tpu.memory_space<hbm>>
    tpu.enqueue_indirect_dma source(%dma_start3A_2 : memref<50000x128xf32, #tpu.memory_space<hbm>>) target(%arg6 : memref<512x128xf32, #tpu.memory_space<vmem>>) offsets(%arg5 : memref<512xi32, #tpu.memory_space<vmem>>) semaphore(%arg7 : memref<!tpu.dma_semaphore, #tpu.memory_space<semaphore_mem>>)
    %dma_wait3A = arith.constant 0 : i32
    %dma_wait3A_3 = arith.constant 0 : i32
    %dma_wait3A_4 = tpu.memref_slice %arg3[%dma_wait3A, %dma_wait3A_3] : memref<50000x128xf32, #tpu.memory_space<hbm>> -> memref<50000x128xf32, #tpu.memory_space<hbm>>
    tpu.wait_indirect_dma semaphore(%arg7 : memref<!tpu.dma_semaphore, #tpu.memory_space<semaphore_mem>>) src(%dma_wait3A_4 : memref<50000x128xf32, #tpu.memory_space<hbm>>) dst(%arg6 : memref<512x128xf32, #tpu.memory_space<vmem>>)
    "tpu.region"() ({
      %run_scoped3A = tpu.sem_alloc : memref<!tpu.dma_semaphore, #tpu.memory_space<semaphore_mem>>
      %dma_start3A_5 = arith.constant 0 : i32
      %dma_start3A_6 = arith.constant 0 : i32
      %dma_start3A_7 = tpu.memref_slice %arg4[%add3A, %dma_start3A_5, %dma_start3A_6] : memref<32x512x128xf32, #tpu.memory_space<hbm>> -> memref<1x512x128xf32, #tpu.memory_space<hbm>>
      %dma_start3A_8 = tpu.memref_squeeze %dma_start3A_7 : memref<1x512x128xf32, #tpu.memory_space<hbm>> -> memref<512x128xf32, #tpu.memory_space<hbm>>
      %dma_start3A_9 = arith.constant 0 : i32
      %dma_start3A_10 = arith.constant 0 : i32
      %dma_start3A_11 = tpu.memref_slice %arg4[%add3A, %dma_start3A_9, %dma_start3A_10] : memref<32x512x128xf32, #tpu.memory_space<hbm>> -> memref<1x512x128xf32, #tpu.memory_space<hbm>>
      %dma_start3A_12 = tpu.memref_squeeze %dma_start3A_11 : memref<1x512x128xf32, #tpu.memory_space<hbm>> -> memref<512x128xf32, #tpu.memory_space<hbm>>
      tpu.enqueue_dma source(%arg6 : memref<512x128xf32, #tpu.memory_space<vmem>>) target(%dma_start3A_12 : memref<512x128xf32, #tpu.memory_space<hbm>>) target_semaphore(%run_scoped3A : memref<!tpu.dma_semaphore, #tpu.memory_space<semaphore_mem>>)
      %dma_wait3A_13 = arith.constant 0 : i32
      %dma_wait3A_14 = arith.constant 0 : i32
      %dma_wait3A_15 = tpu.memref_slice %arg4[%add3A, %dma_wait3A_13, %dma_wait3A_14] : memref<32x512x128xf32, #tpu.memory_space<hbm>> -> memref<1x512x128xf32, #tpu.memory_space<hbm>>
      %dma_wait3A_16 = tpu.memref_squeeze %dma_wait3A_15 : memref<1x512x128xf32, #tpu.memory_space<hbm>> -> memref<512x128xf32, #tpu.memory_space<hbm>>
      %dma_wait3A_17 = arith.constant 0 : i32
      %dma_wait3A_18 = arith.constant 0 : i32
      %dma_wait3A_19 = tpu.memref_slice %arg4[%add3A, %dma_wait3A_17, %dma_wait3A_18] : memref<32x512x128xf32, #tpu.memory_space<hbm>> -> memref<1x512x128xf32, #tpu.memory_space<hbm>>
      %dma_wait3A_20 = tpu.memref_squeeze %dma_wait3A_19 : memref<1x512x128xf32, #tpu.memory_space<hbm>> -> memref<512x128xf32, #tpu.memory_space<hbm>>
      tpu.wait_dma2 semaphore(%run_scoped3A : memref<!tpu.dma_semaphore, #tpu.memory_space<semaphore_mem>>) src(%arg6 : memref<512x128xf32, #tpu.memory_space<vmem>>) dst(%dma_wait3A_20 : memref<512x128xf32, #tpu.memory_space<hbm>>)
      tpu.yield
    }) : () -> ()
    return
  }
}

module attributes {stable_mosaic.version = 14 : i64} {
  func.func @_combine_body(%arg0: i32, %arg1: memref<64x64xf32, #tpu.memory_space<vmem>>, %arg2: memref<64x64xf32, #tpu.memory_space<vmem>>, %arg3: memref<8192x128xf32, #tpu.memory_space<vmem>>, %arg4: memref<8192x128xf32, #tpu.memory_space<vmem>>, %arg5: memref<8192x1xf32, #tpu.memory_space<vmem>>, %arg6: memref<1x1xf32, #tpu.memory_space<vmem>>) attributes {dimension_semantics = [#tpu.dimension_semantics<arbitrary>], iteration_bounds = array<i64: 1>, scalar_prefetch = 0 : i64, scratch_operands = 0 : i64, tpu.core_type = #tpu.core_type<tc>, window_params = [{pipeline_mode = #tpu.pipeline_mode<synchronous>, transform_indices = @transform_0, window_bounds = array<i64: 64, 64>}, {pipeline_mode = #tpu.pipeline_mode<synchronous>, transform_indices = @transform_1, window_bounds = array<i64: 64, 64>}, {transform_indices = @transform_2, window_bounds = array<i64: 8192, 128>}, {transform_indices = @transform_3, window_bounds = array<i64: 8192, 128>}, {pipeline_mode = #tpu.pipeline_mode<synchronous>, transform_indices = @transform_4, window_bounds = array<i64: 8192, 1>}, {pipeline_mode = #tpu.pipeline_mode<synchronous>, transform_indices = @transform_5, window_bounds = array<i64: 1, 1>}]} {
    %get3A = arith.constant 0 : index
    %get3A_0 = arith.constant 0 : index
    %get3A_1 = vector.load %arg1[%get3A, %get3A_0] : memref<64x64xf32, #tpu.memory_space<vmem>>, vector<64x64xf32>
    %get3A_2 = arith.constant 0 : index
    %get3A_3 = arith.constant 0 : index
    %get3A_4 = vector.load %arg2[%get3A_2, %get3A_3] : memref<64x64xf32, #tpu.memory_space<vmem>>, vector<64x64xf32>
    %add3A = arith.constant 0.000000e+00 : f32
    %add3A_5 = vector.broadcast %add3A : f32 to vector<64x64xf32>
    %add3A_6 = arith.addf %get3A_1, %add3A_5 : vector<64x64xf32>
    %div3A = arith.constant 1.000000e+00 : f32
    %div3A_7 = vector.broadcast %div3A : f32 to vector<64x64xf32>
    %div3A_8 = arith.divf %div3A_7, %add3A_6 : vector<64x64xf32>
    %add3A_9 = arith.constant 0.000000e+00 : f32
    %add3A_10 = vector.broadcast %add3A_9 : f32 to vector<64x64xf32>
    %add3A_11 = arith.addf %add3A_10, %div3A_8 : vector<64x64xf32>
    %add3A_12 = arith.constant 1.000000e+00 : f32
    %add3A_13 = vector.broadcast %add3A_12 : f32 to vector<64x64xf32>
    %add3A_14 = arith.addf %get3A_1, %add3A_13 : vector<64x64xf32>
    %div3A_15 = arith.constant 1.000000e+00 : f32
    %div3A_16 = vector.broadcast %div3A_15 : f32 to vector<64x64xf32>
    %div3A_17 = arith.divf %div3A_16, %add3A_14 : vector<64x64xf32>
    %add3A_18 = arith.addf %add3A_11, %div3A_17 : vector<64x64xf32>
    %add3A_19 = arith.constant 2.000000e+00 : f32
    %add3A_20 = vector.broadcast %add3A_19 : f32 to vector<64x64xf32>
    %add3A_21 = arith.addf %get3A_1, %add3A_20 : vector<64x64xf32>
    %div3A_22 = arith.constant 1.000000e+00 : f32
    %div3A_23 = vector.broadcast %div3A_22 : f32 to vector<64x64xf32>
    %div3A_24 = arith.divf %div3A_23, %add3A_21 : vector<64x64xf32>
    %add3A_25 = arith.addf %add3A_18, %div3A_24 : vector<64x64xf32>
    %add3A_26 = arith.constant 3.000000e+00 : f32
    %add3A_27 = vector.broadcast %add3A_26 : f32 to vector<64x64xf32>
    %add3A_28 = arith.addf %get3A_1, %add3A_27 : vector<64x64xf32>
    %div3A_29 = arith.constant 1.000000e+00 : f32
    %div3A_30 = vector.broadcast %div3A_29 : f32 to vector<64x64xf32>
    %div3A_31 = arith.divf %div3A_30, %add3A_28 : vector<64x64xf32>
    %add3A_32 = arith.addf %add3A_25, %div3A_31 : vector<64x64xf32>
    %add3A_33 = arith.constant 4.000000e+00 : f32
    %add3A_34 = vector.broadcast %add3A_33 : f32 to vector<64x64xf32>
    %add3A_35 = arith.addf %get3A_1, %add3A_34 : vector<64x64xf32>
    %div3A_36 = arith.constant 1.000000e+00 : f32
    %div3A_37 = vector.broadcast %div3A_36 : f32 to vector<64x64xf32>
    %div3A_38 = arith.divf %div3A_37, %add3A_35 : vector<64x64xf32>
    %add3A_39 = arith.addf %add3A_32, %div3A_38 : vector<64x64xf32>
    %add3A_40 = arith.constant 5.000000e+00 : f32
    %add3A_41 = vector.broadcast %add3A_40 : f32 to vector<64x64xf32>
    %add3A_42 = arith.addf %get3A_1, %add3A_41 : vector<64x64xf32>
    %div3A_43 = arith.constant 1.000000e+00 : f32
    %div3A_44 = vector.broadcast %div3A_43 : f32 to vector<64x64xf32>
    %div3A_45 = arith.divf %div3A_44, %add3A_42 : vector<64x64xf32>
    %add3A_46 = arith.addf %add3A_39, %div3A_45 : vector<64x64xf32>
    %add3A_47 = arith.constant 6.000000e+00 : f32
    %add3A_48 = vector.broadcast %add3A_47 : f32 to vector<64x64xf32>
    %add3A_49 = arith.addf %get3A_1, %add3A_48 : vector<64x64xf32>
    %div3A_50 = arith.constant 1.000000e+00 : f32
    %div3A_51 = vector.broadcast %div3A_50 : f32 to vector<64x64xf32>
    %div3A_52 = arith.divf %div3A_51, %add3A_49 : vector<64x64xf32>
    %mul3A = arith.mulf %div3A_52, %div3A_52 : vector<64x64xf32>
    %log3A = math.log %add3A_49 : vector<64x64xf32>
    %mul3A_53 = arith.constant 5.000000e-01 : f32
    %mul3A_54 = vector.broadcast %mul3A_53 : f32 to vector<64x64xf32>
    %mul3A_55 = arith.mulf %mul3A_54, %div3A_52 : vector<64x64xf32>
    %sub3A = arith.subf %log3A, %mul3A_55 : vector<64x64xf32>
    %mul3A_56 = arith.constant 0.0039682542 : f32
    %mul3A_57 = vector.broadcast %mul3A_56 : f32 to vector<64x64xf32>
    %mul3A_58 = arith.mulf %mul3A, %mul3A_57 : vector<64x64xf32>
    %sub3A_59 = arith.constant 0.00833333377 : f32
    %sub3A_60 = vector.broadcast %sub3A_59 : f32 to vector<64x64xf32>
    %sub3A_61 = arith.subf %sub3A_60, %mul3A_58 : vector<64x64xf32>
    %mul3A_62 = arith.mulf %mul3A, %sub3A_61 : vector<64x64xf32>
    %sub3A_63 = arith.constant 0.0833333358 : f32
    %sub3A_64 = vector.broadcast %sub3A_63 : f32 to vector<64x64xf32>
    %sub3A_65 = arith.subf %sub3A_64, %mul3A_62 : vector<64x64xf32>
    %mul3A_66 = arith.mulf %mul3A, %sub3A_65 : vector<64x64xf32>
    %sub3A_67 = arith.subf %sub3A, %mul3A_66 : vector<64x64xf32>
    %sub3A_68 = arith.subf %sub3A_67, %add3A_46 : vector<64x64xf32>
    %add3A_69 = arith.constant 0.000000e+00 : f32
    %add3A_70 = vector.broadcast %add3A_69 : f32 to vector<64x64xf32>
    %add3A_71 = arith.addf %get3A_4, %add3A_70 : vector<64x64xf32>
    %div3A_72 = arith.constant 1.000000e+00 : f32
    %div3A_73 = vector.broadcast %div3A_72 : f32 to vector<64x64xf32>
    %div3A_74 = arith.divf %div3A_73, %add3A_71 : vector<64x64xf32>
    %add3A_75 = arith.constant 0.000000e+00 : f32
    %add3A_76 = vector.broadcast %add3A_75 : f32 to vector<64x64xf32>
    %add3A_77 = arith.addf %add3A_76, %div3A_74 : vector<64x64xf32>
    %add3A_78 = arith.constant 1.000000e+00 : f32
    %add3A_79 = vector.broadcast %add3A_78 : f32 to vector<64x64xf32>
    %add3A_80 = arith.addf %get3A_4, %add3A_79 : vector<64x64xf32>
    %div3A_81 = arith.constant 1.000000e+00 : f32
    %div3A_82 = vector.broadcast %div3A_81 : f32 to vector<64x64xf32>
    %div3A_83 = arith.divf %div3A_82, %add3A_80 : vector<64x64xf32>
    %add3A_84 = arith.addf %add3A_77, %div3A_83 : vector<64x64xf32>
    %add3A_85 = arith.constant 2.000000e+00 : f32
    %add3A_86 = vector.broadcast %add3A_85 : f32 to vector<64x64xf32>
    %add3A_87 = arith.addf %get3A_4, %add3A_86 : vector<64x64xf32>
    %div3A_88 = arith.constant 1.000000e+00 : f32
    %div3A_89 = vector.broadcast %div3A_88 : f32 to vector<64x64xf32>
    %div3A_90 = arith.divf %div3A_89, %add3A_87 : vector<64x64xf32>
    %add3A_91 = arith.addf %add3A_84, %div3A_90 : vector<64x64xf32>
    %add3A_92 = arith.constant 3.000000e+00 : f32
    %add3A_93 = vector.broadcast %add3A_92 : f32 to vector<64x64xf32>
    %add3A_94 = arith.addf %get3A_4, %add3A_93 : vector<64x64xf32>
    %div3A_95 = arith.constant 1.000000e+00 : f32
    %div3A_96 = vector.broadcast %div3A_95 : f32 to vector<64x64xf32>
    %div3A_97 = arith.divf %div3A_96, %add3A_94 : vector<64x64xf32>
    %add3A_98 = arith.addf %add3A_91, %div3A_97 : vector<64x64xf32>
    %add3A_99 = arith.constant 4.000000e+00 : f32
    %add3A_100 = vector.broadcast %add3A_99 : f32 to vector<64x64xf32>
    %add3A_101 = arith.addf %get3A_4, %add3A_100 : vector<64x64xf32>
    %div3A_102 = arith.constant 1.000000e+00 : f32
    %div3A_103 = vector.broadcast %div3A_102 : f32 to vector<64x64xf32>
    %div3A_104 = arith.divf %div3A_103, %add3A_101 : vector<64x64xf32>
    %add3A_105 = arith.addf %add3A_98, %div3A_104 : vector<64x64xf32>
    %add3A_106 = arith.constant 5.000000e+00 : f32
    %add3A_107 = vector.broadcast %add3A_106 : f32 to vector<64x64xf32>
    %add3A_108 = arith.addf %get3A_4, %add3A_107 : vector<64x64xf32>
    %div3A_109 = arith.constant 1.000000e+00 : f32
    %div3A_110 = vector.broadcast %div3A_109 : f32 to vector<64x64xf32>
    %div3A_111 = arith.divf %div3A_110, %add3A_108 : vector<64x64xf32>
    %add3A_112 = arith.addf %add3A_105, %div3A_111 : vector<64x64xf32>
    %add3A_113 = arith.constant 6.000000e+00 : f32
    %add3A_114 = vector.broadcast %add3A_113 : f32 to vector<64x64xf32>
    %add3A_115 = arith.addf %get3A_4, %add3A_114 : vector<64x64xf32>
    %div3A_116 = arith.constant 1.000000e+00 : f32
    %div3A_117 = vector.broadcast %div3A_116 : f32 to vector<64x64xf32>
    %div3A_118 = arith.divf %div3A_117, %add3A_115 : vector<64x64xf32>
    %mul3A_119 = arith.mulf %div3A_118, %div3A_118 : vector<64x64xf32>
    %log3A_120 = math.log %add3A_115 : vector<64x64xf32>
    %mul3A_121 = arith.constant 5.000000e-01 : f32
    %mul3A_122 = vector.broadcast %mul3A_121 : f32 to vector<64x64xf32>
    %mul3A_123 = arith.mulf %mul3A_122, %div3A_118 : vector<64x64xf32>
    %sub3A_124 = arith.subf %log3A_120, %mul3A_123 : vector<64x64xf32>
    %mul3A_125 = arith.constant 0.0039682542 : f32
    %mul3A_126 = vector.broadcast %mul3A_125 : f32 to vector<64x64xf32>
    %mul3A_127 = arith.mulf %mul3A_119, %mul3A_126 : vector<64x64xf32>
    %sub3A_128 = arith.constant 0.00833333377 : f32
    %sub3A_129 = vector.broadcast %sub3A_128 : f32 to vector<64x64xf32>
    %sub3A_130 = arith.subf %sub3A_129, %mul3A_127 : vector<64x64xf32>
    %mul3A_131 = arith.mulf %mul3A_119, %sub3A_130 : vector<64x64xf32>
    %sub3A_132 = arith.constant 0.0833333358 : f32
    %sub3A_133 = vector.broadcast %sub3A_132 : f32 to vector<64x64xf32>
    %sub3A_134 = arith.subf %sub3A_133, %mul3A_131 : vector<64x64xf32>
    %mul3A_135 = arith.mulf %mul3A_119, %sub3A_134 : vector<64x64xf32>
    %sub3A_136 = arith.subf %sub3A_124, %mul3A_135 : vector<64x64xf32>
    %sub3A_137 = arith.subf %sub3A_136, %add3A_112 : vector<64x64xf32>
    %add3A_138 = arith.addf %get3A_1, %get3A_4 : vector<64x64xf32>
    %add3A_139 = arith.constant 0.000000e+00 : f32
    %add3A_140 = vector.broadcast %add3A_139 : f32 to vector<64x64xf32>
    %add3A_141 = arith.addf %add3A_138, %add3A_140 : vector<64x64xf32>
    %div3A_142 = arith.constant 1.000000e+00 : f32
    %div3A_143 = vector.broadcast %div3A_142 : f32 to vector<64x64xf32>
    %div3A_144 = arith.divf %div3A_143, %add3A_141 : vector<64x64xf32>
    %add3A_145 = arith.constant 0.000000e+00 : f32
    %add3A_146 = vector.broadcast %add3A_145 : f32 to vector<64x64xf32>
    %add3A_147 = arith.addf %add3A_146, %div3A_144 : vector<64x64xf32>
    %add3A_148 = arith.constant 1.000000e+00 : f32
    %add3A_149 = vector.broadcast %add3A_148 : f32 to vector<64x64xf32>
    %add3A_150 = arith.addf %add3A_138, %add3A_149 : vector<64x64xf32>
    %div3A_151 = arith.constant 1.000000e+00 : f32
    %div3A_152 = vector.broadcast %div3A_151 : f32 to vector<64x64xf32>
    %div3A_153 = arith.divf %div3A_152, %add3A_150 : vector<64x64xf32>
    %add3A_154 = arith.addf %add3A_147, %div3A_153 : vector<64x64xf32>
    %add3A_155 = arith.constant 2.000000e+00 : f32
    %add3A_156 = vector.broadcast %add3A_155 : f32 to vector<64x64xf32>
    %add3A_157 = arith.addf %add3A_138, %add3A_156 : vector<64x64xf32>
    %div3A_158 = arith.constant 1.000000e+00 : f32
    %div3A_159 = vector.broadcast %div3A_158 : f32 to vector<64x64xf32>
    %div3A_160 = arith.divf %div3A_159, %add3A_157 : vector<64x64xf32>
    %add3A_161 = arith.addf %add3A_154, %div3A_160 : vector<64x64xf32>
    %add3A_162 = arith.constant 3.000000e+00 : f32
    %add3A_163 = vector.broadcast %add3A_162 : f32 to vector<64x64xf32>
    %add3A_164 = arith.addf %add3A_138, %add3A_163 : vector<64x64xf32>
    %div3A_165 = arith.constant 1.000000e+00 : f32
    %div3A_166 = vector.broadcast %div3A_165 : f32 to vector<64x64xf32>
    %div3A_167 = arith.divf %div3A_166, %add3A_164 : vector<64x64xf32>
    %add3A_168 = arith.addf %add3A_161, %div3A_167 : vector<64x64xf32>
    %add3A_169 = arith.constant 4.000000e+00 : f32
    %add3A_170 = vector.broadcast %add3A_169 : f32 to vector<64x64xf32>
    %add3A_171 = arith.addf %add3A_138, %add3A_170 : vector<64x64xf32>
    %div3A_172 = arith.constant 1.000000e+00 : f32
    %div3A_173 = vector.broadcast %div3A_172 : f32 to vector<64x64xf32>
    %div3A_174 = arith.divf %div3A_173, %add3A_171 : vector<64x64xf32>
    %add3A_175 = arith.addf %add3A_168, %div3A_174 : vector<64x64xf32>
    %add3A_176 = arith.constant 5.000000e+00 : f32
    %add3A_177 = vector.broadcast %add3A_176 : f32 to vector<64x64xf32>
    %add3A_178 = arith.addf %add3A_138, %add3A_177 : vector<64x64xf32>
    %div3A_179 = arith.constant 1.000000e+00 : f32
    %div3A_180 = vector.broadcast %div3A_179 : f32 to vector<64x64xf32>
    %div3A_181 = arith.divf %div3A_180, %add3A_178 : vector<64x64xf32>
    %add3A_182 = arith.addf %add3A_175, %div3A_181 : vector<64x64xf32>
    %add3A_183 = arith.constant 6.000000e+00 : f32
    %add3A_184 = vector.broadcast %add3A_183 : f32 to vector<64x64xf32>
    %add3A_185 = arith.addf %add3A_138, %add3A_184 : vector<64x64xf32>
    %div3A_186 = arith.constant 1.000000e+00 : f32
    %div3A_187 = vector.broadcast %div3A_186 : f32 to vector<64x64xf32>
    %div3A_188 = arith.divf %div3A_187, %add3A_185 : vector<64x64xf32>
    %mul3A_189 = arith.mulf %div3A_188, %div3A_188 : vector<64x64xf32>
    %log3A_190 = math.log %add3A_185 : vector<64x64xf32>
    %mul3A_191 = arith.constant 5.000000e-01 : f32
    %mul3A_192 = vector.broadcast %mul3A_191 : f32 to vector<64x64xf32>
    %mul3A_193 = arith.mulf %mul3A_192, %div3A_188 : vector<64x64xf32>
    %sub3A_194 = arith.subf %log3A_190, %mul3A_193 : vector<64x64xf32>
    %mul3A_195 = arith.constant 0.0039682542 : f32
    %mul3A_196 = vector.broadcast %mul3A_195 : f32 to vector<64x64xf32>
    %mul3A_197 = arith.mulf %mul3A_189, %mul3A_196 : vector<64x64xf32>
    %sub3A_198 = arith.constant 0.00833333377 : f32
    %sub3A_199 = vector.broadcast %sub3A_198 : f32 to vector<64x64xf32>
    %sub3A_200 = arith.subf %sub3A_199, %mul3A_197 : vector<64x64xf32>
    %mul3A_201 = arith.mulf %mul3A_189, %sub3A_200 : vector<64x64xf32>
    %sub3A_202 = arith.constant 0.0833333358 : f32
    %sub3A_203 = vector.broadcast %sub3A_202 : f32 to vector<64x64xf32>
    %sub3A_204 = arith.subf %sub3A_203, %mul3A_201 : vector<64x64xf32>
    %mul3A_205 = arith.mulf %mul3A_189, %sub3A_204 : vector<64x64xf32>
    %sub3A_206 = arith.subf %sub3A_194, %mul3A_205 : vector<64x64xf32>
    %sub3A_207 = arith.subf %sub3A_206, %add3A_182 : vector<64x64xf32>
    %sub3A_208 = arith.subf %sub3A_68, %sub3A_137 : vector<64x64xf32>
    %sub3A_209 = arith.subf %sub3A_137, %sub3A_207 : vector<64x64xf32>
    %get3A_210 = arith.constant 0 : index
    %get3A_211 = arith.constant 0 : index
    %get3A_212 = vector.load %arg5[%get3A_210, %get3A_211] : memref<8192x1xf32, #tpu.memory_space<vmem>>, vector<8192x1xf32>
    %gt3A = arith.constant 0.000000e+00 : f32
    %gt3A_213 = vector.broadcast %gt3A : f32 to vector<8192x1xf32>
    %gt3A_214 = arith.cmpf ogt, %get3A_212, %gt3A_213 : vector<8192x1xf32>
    %convert_element_type3A = arith.extui %gt3A_214 : vector<8192x1xi1> to vector<8192x1xi32>
    %convert_element_type3A_215 = arith.sitofp %convert_element_type3A : vector<8192x1xi32> to vector<8192x1xf32>
    %get3A_216 = arith.constant 0 : index
    %get3A_217 = arith.constant 0 : index
    %get3A_218 = vector.load %arg3[%get3A_216, %get3A_217] : memref<8192x128xf32, #tpu.memory_space<vmem>>, vector<8192x128xf32>
    %slice3A = vector.extract_strided_slice %get3A_218 {offsets = [0, 0], sizes = [8192, 64], strides = [1, 1]} : vector<8192x128xf32> to vector<8192x64xf32>
    %get3A_219 = arith.constant 0 : index
    %get3A_220 = arith.constant 0 : index
    %get3A_221 = vector.load %arg4[%get3A_219, %get3A_220] : memref<8192x128xf32, #tpu.memory_space<vmem>>, vector<8192x128xf32>
    %slice3A_222 = vector.extract_strided_slice %get3A_221 {offsets = [0, 0], sizes = [8192, 64], strides = [1, 1]} : vector<8192x128xf32> to vector<8192x64xf32>
    %mul3A_223 = vector.broadcast %convert_element_type3A_215 : vector<8192x1xf32> to vector<8192x64xf32>
    %mul3A_224 = arith.mulf %slice3A, %mul3A_223 : vector<8192x64xf32>
    %dot_general3A = arith.constant dense<0.000000e+00> : vector<64x64xf32>
    %dot_general3A_225 = tpu.matmul %mul3A_224, %slice3A_222, %dot_general3A {dimension_numbers = #tpu.dot_dimension_numbers<[0], [0], [1], [1], [0, 1, 1, 1], [], []>, transpose_lhs_hint = false} : vector<8192x64xf32>, vector<8192x64xf32>, vector<64x64xf32> -> vector<64x64xf32>
    %dot_general3A_226 = arith.constant dense<0.000000e+00> : vector<64x64xf32>
    %dot_general3A_227 = tpu.matmul %slice3A, %slice3A_222, %dot_general3A_226 {dimension_numbers = #tpu.dot_dimension_numbers<[0], [0], [1], [1], [0, 1, 1, 1], [], []>, transpose_lhs_hint = false} : vector<8192x64xf32>, vector<8192x64xf32>, vector<64x64xf32> -> vector<64x64xf32>
    %mul3A_228 = arith.mulf %sub3A_208, %dot_general3A_225 : vector<64x64xf32>
    %reduce_sum3A = vector.shape_cast %mul3A_228 : vector<64x64xf32> to vector<1x64x64xf32>
    %reduce_sum3A_229 = arith.constant dense<0.000000e+00> : vector<1xf32>
    %reduce_sum3A_230 = vector.multi_reduction <add>, %reduce_sum3A, %reduce_sum3A_229 [1, 2] : vector<1x64x64xf32> to vector<1xf32>
    %reduce_sum3A_231 = vector.shape_cast %reduce_sum3A_230 : vector<1xf32> to vector<1x1x1xf32>
    %reduce_sum3A_232 = vector.extract %reduce_sum3A_231[0, 0, 0] : f32 from vector<1x1x1xf32>
    %mul3A_233 = arith.mulf %sub3A_209, %dot_general3A_227 : vector<64x64xf32>
    %reduce_sum3A_234 = vector.shape_cast %mul3A_233 : vector<64x64xf32> to vector<1x64x64xf32>
    %reduce_sum3A_235 = arith.constant dense<0.000000e+00> : vector<1xf32>
    %reduce_sum3A_236 = vector.multi_reduction <add>, %reduce_sum3A_234, %reduce_sum3A_235 [1, 2] : vector<1x64x64xf32> to vector<1xf32>
    %reduce_sum3A_237 = vector.shape_cast %reduce_sum3A_236 : vector<1xf32> to vector<1x1x1xf32>
    %reduce_sum3A_238 = vector.extract %reduce_sum3A_237[0, 0, 0] : f32 from vector<1x1x1xf32>
    %add3A_239 = arith.addf %reduce_sum3A_232, %reduce_sum3A_238 : f32
    %reshape3A = vector.broadcast %add3A_239 : f32 to vector<1x1xf32>
    %swap3A = arith.constant 0 : index
    %swap3A_240 = arith.constant 0 : index
    %swap3A_241 = vector.load %arg6[%swap3A, %swap3A_240] : memref<1x1xf32, #tpu.memory_space<vmem>>, vector<1x1xf32>
    tpu.vector_store %arg6[%swap3A, %swap3A_240], %reshape3A {strides = array<i32>} : memref<1x1xf32, #tpu.memory_space<vmem>>, vector<1x1xf32>,
    return
  }
  func.func @transform_0(%arg0: i32) -> (i32, i32) {
    %c0_i32 = arith.constant 0 : i32
    %c0_i32_0 = arith.constant 0 : i32
    %c0_i32_1 = arith.constant 0 : i32
    return %c0_i32, %c0_i32_0 : i32, i32
  }
  func.func @transform_1(%arg0: i32) -> (i32, i32) {
    %c0_i32 = arith.constant 0 : i32
    %c0_i32_0 = arith.constant 0 : i32
    %c0_i32_1 = arith.constant 0 : i32
    return %c0_i32, %c0_i32_0 : i32, i32
  }
  func.func @transform_2(%arg0: i32) -> (i32, i32) {
    %c0_i32 = arith.constant 0 : i32
    %c0_i32_0 = arith.constant 0 : i32
    %c0_i32_1 = arith.constant 0 : i32
    return %c0_i32, %c0_i32_0 : i32, i32
  }
  func.func @transform_3(%arg0: i32) -> (i32, i32) {
    %c1_i32 = arith.constant 1 : i32
    %c0_i32 = arith.constant 0 : i32
    %c0_i32_0 = arith.constant 0 : i32
    return %c1_i32, %c0_i32 : i32, i32
  }
  func.func @transform_4(%arg0: i32) -> (i32, i32) {
    %c0_i32 = arith.constant 0 : i32
    %c0_i32_0 = arith.constant 0 : i32
    %c0_i32_1 = arith.constant 0 : i32
    return %c0_i32, %c0_i32_0 : i32, i32
  }
  func.func @transform_5(%arg0: i32) -> (i32, i32) {
    %c0_i32 = arith.constant 0 : i32
    %c0_i32_0 = arith.constant 0 : i32
    %c0_i32_1 = arith.constant 0 : i32
    return %c0_i32, %c0_i32_0 : i32, i32
  }
}

</mosaic_0001>

<sc_bundles>
// kernel: kernel.4.cloned.1.call-start
scs
__scs_entry_jumppad:
0x0: {  	(pc) =	sbr.rel $0x88, $3  }
0x1: {  	(tag) =	ssettag $0x0;
	lr =	simm.s32 $0x1  }
0x2: {  	[smem:$0x3F9C] =	sst lr;
	_ =	strace $0xD0000000  }
0x3: {  	_ = 	snop  }
0x4: {  	_ = 	snop  }
0x5: {  	_ = 	snop  }
0x6: {  	_ = 	snop  }
0x7: {  	_ = 	snop  }
__scs_overlays_trampoline_lowered:
0x8: {  	[smem:$0x3FAB] =	sst s0  }
0x9: {  	[smem:$0x3FAC] =	sst s1  }
0xa: {  	[smem:$0x3FAD] =	sst s2  }
0xb: {  	[smem:$0x3FAE] =	sst s3  }
0xc: {  	[smem:$0x3FAF] =	sst s4  }
0xd: {  	[smem:$0x3FB0] =	sst s5  }
0xe: {  	[smem:$0x3FB1] =	sst s6  }
0xf: {  	[smem:$0x3FB2] =	sst s7  }
0x10: {  	[smem:$0x3FB3] =	sst s8  }
0x11: {  	[smem:$0x3FB4] =	sst s9;
	s0 =	simm.s32 @!p0 $0x0  }
0x12: {  	s1 =	sld [smem:$0x3F9A];
	s0 =	simm.s32 @p0 $0x1  }
0x13: {  	[smem:$0x3FB5] =	sst s0;
	s0 =	simm.s32 @!p1 $0x0  }
0x14: {  	s2 =	sld [smem:$0x3F99];
	s0 =	simm.s32 @p1 $0x1  }
0x15: {  	[smem:$0x3FB6] =	sst s0;
	s0 =	simm.s32 @!p2 $0x0  }
0x16: {  	s3 =	sld [smem:$0x3FDB];
	s0 =	simm.s32 @p2 $0x1  }
0x17: {  	s4 =	simm.s32 $0x1BF5;
	[smem:$0x3FB8] =	sst s0  }
0x18: {  	s0 =	sld [smem:$0x3F9B];
	_ =	swait.ge [sflag:s4], $0x0  }
0x19: {  	s7 =	sld [smem:$0x3F9C]  }
0x1a: {  	s8 =	sadd.s32 $0xFFFFE003, lr  }
0x1b: {  	s9 =	sadd.s32 $0xFFFFFEF7, lr;
	s5 =	simm.s32 $0xFFFFFFFF;
	p2 =	slt.u32 s8, $0xFFFFF086  }
0x1c: {  	p1 =	slt.u32 s9, $0xF7A;
	s5 =	simm.s32 @!p2 $0x0  }
0x1d: {  	s5 =	simm.s32 @p1 $0x1;
	p0 =	seq.s32 s7, s2  }
0x1e: {  	s7 =	smul.u32 @!p0 $0xF7A, s2;
	p2 =	seq.s32 @!p0 s5, $0x0  }
0x1f: {  	s9 =	smul.u32 $0xF7A, s1;
	s8 =	simm.s32 @!p0 $0x1BF5;
	p2 =	por !p2, p0  }
0x20: {  	[sflag:s8] =	ssyncset.s32 @!p0 $0xFFFFF086;
	s6 =	sadd.s32 @!p0 s3, s7;
	s7 =	simm.s32 @!p0 $0x108  }
0x21: {  	s3 =	sadd.s32 s3, s9;
	s6 =	sadd.s32 @!p0 $0x88, s6;
	s7 =	simm.s32 @p2 $0x1082  }
0x22: {  	[simem:s7], [sflag:s8] =	dma.local @!p0 [hbm:s6], $0xF7A  }
0x23: {  	s9 =	sor.u32 $0xD0000000, s2;
	s6 =	simm.s32 $0x108;
	_ =	swait.ge @!p0 [sflag:s8], $0x0  }
0x24: {  	s3 =	sadd.s32 $0x88, s3;
	s6 =	simm.s32 @!p1 $0x1082;
	[sflag:s4] =	ssyncset.s32 $0xFFFFF086  }
0x25: {  	[simem:s6], [sflag:s4] =	dma.local [hbm:s3], $0xF7A  }
0x26: {  	[smem:$0x3F9C] =	sst s1;
	(tag) =	ssettag s2;
	_ =	strace s9  }
0x27: {  	s1 =	sld [smem:$0x3FAC]  }
0x28: {  	s2 =	sld [smem:$0x3FAD]  }
0x29: {  	s4 =	sld [smem:$0x3FAF]  }
0x2a: {  	p0 =	seq.s32 s5, $0x0;
	s5 =	sld [smem:$0x3FB0]  }
0x2b: {  	s6 =	sld [smem:$0x3FB1]  }
0x2c: {  	s7 =	sld [smem:$0x3FB2]  }
0x2d: {  	s3 =	simm.s32 $0x108;
	s8 =	sld [smem:$0x3FB3]  }
0x2e: {  	s3 =	simm.s32 @!p0 $0x1082;
	s9 =	sld [smem:$0x3FB4]  }
0x2f: {  	lr =	sadd.s32 s0, s3;
	s0 =	sld [smem:$0x3FAB]  }
0x30: {  	s3 =	sld [smem:$0x3FAE]  }
0x31: {  	[smem:$0x3FB7] =	sst s10  }
0x32: {  	s10 =	sld [smem:$0x3FB5];
	_ =	sdelay $0x3  }
0x33: {  	p0 =	seq.s32 s10, $0x1;
	s10 =	sld [smem:$0x3FB7];
	_ =	sdelay $0x3  }
0x34: {  	[smem:$0x3FB7] =	sst s10  }
0x35: {  	s10 =	sld [smem:$0x3FB6];
	_ =	sdelay $0x3  }
0x36: {  	p1 =	seq.s32 s10, $0x1;
	s10 =	sld [smem:$0x3FB7];
	_ =	sdelay $0x3  }
0x37: {  	[smem:$0x3FB7] =	sst s10  }
0x38: {  	s10 =	sld [smem:$0x3FB8]  }
0x39: {  	_ = 	snop;
	(pc) =	sbr.ind lr, $3  }
0x3a: {  	_ = 	snop  }
0x3b: {  	_ = 	snop  }
0x3c: {  	p2 =	seq.s32 s10, $0x1;
	s10 =	sld [smem:$0x3FB7]  }
0x3d: {  	_ =	shalt  }
0x3e: {  	_ =	shalt  }
0x3f: {  	_ =	shalt  }
0x40: {  	_ =	shalt  }
0x41: {  	_ =	shalt  }
0x42: {  	_ =	shalt  }
0x43: {  	_ =	shalt  }
0x44: {  	_ =	shalt  }
0x45: {  	_ =	shalt  }
0x46: {  	_ =	shalt  }
0x47: {  	_ =	shalt  }
0x48: {  	_ =	shalt  }
0x49: {  	_ =	shalt  }
0x4a: {  	_ =	shalt  }
0x4b: {  	_ =	shalt  }
0x4c: {  	_ =	shalt  }
0x4d: {  	_ =	shalt  }
0x4e: {  	_ =	shalt  }
0x4f: {  	_ =	shalt  }
0x50: {  	_ =	shalt  }
0x51: {  	_ =	shalt  }
0x52: {  	_ =	shalt  }
0x53: {  	_ =	shalt  }
0x54: {  	_ =	shalt  }
0x55: {  	_ =	shalt  }
0x56: {  	_ =	shalt  }
0x57: {  	_ =	shalt  }
0x58: {  	_ =	shalt  }
0x59: {  	_ =	shalt  }
0x5a: {  	_ =	shalt  }
0x5b: {  	_ =	shalt  }
0x5c: {  	_ =	shalt  }
0x5d: {  	_ =	shalt  }
0x5e: {  	_ =	shalt  }
0x5f: {  	_ =	shalt  }
0x60: {  	_ =	shalt  }
0x61: {  	_ =	shalt  }
0x62: {  	_ =	shalt  }
0x63: {  	_ =	shalt  }
0x64: {  	_ =	shalt  }
0x65: {  	_ =	shalt  }
0x66: {  	_ =	shalt  }
0x67: {  	_ =	shalt  }
0x68: {  	_ =	shalt  }
0x69: {  	_ =	shalt  }
0x6a: {  	_ =	shalt  }
0x6b: {  	_ =	shalt  }
0x6c: {  	_ =	shalt  }
0x6d: {  	_ =	shalt  }
0x6e: {  	_ =	shalt  }
0x6f: {  	_ =	shalt  }
0x70: {  	_ =	shalt  }
0x71: {  	_ =	shalt  }
0x72: {  	_ =	shalt  }
0x73: {  	_ =	shalt  }
0x74: {  	_ =	shalt  }
0x75: {  	_ =	shalt  }
0x76: {  	_ =	shalt  }
0x77: {  	_ =	shalt  }
0x78: {  	_ =	shalt  }
0x79: {  	_ =	shalt  }
0x7a: {  	_ =	shalt  }
0x7b: {  	_ =	shalt  }
0x7c: {  	_ =	shalt  }
0x7d: {  	_ =	shalt  }
0x7e: {  	_ =	shalt  }
0x7f: {  	_ =	shalt  }
0x80: {  	_ =	shalt  }
0x81: {  	_ =	shalt  }
0x82: {  	_ =	shalt  }
0x83: {  	_ =	shalt  }
0x84: {  	_ =	shalt  }
0x85: {  	_ =	shalt  }
0x86: {  	_ =	shalt  }
0x87: {  	_ =	shalt  }
.Lfunc_end0:
.L_simem_size_0:
called_computation_lowered:
.L_overlay_start_0:
0x88: {  	s2 =	sld [smem:$0x3FD9]  }
0x89: {  	s3 =	sld [smem:$0x3FFE];
	_ =	sdelay $0x1  }
0x8a: {  	s1 =	srdreg.scid  }
0x8b: {  	s0 =	sand.u32 $0x1, s1  }
0x8c: {  	s16 =	sshll.u32 s0, $0xA;
	s2 =	sadd.s32 s3, s2  }
0x8d: {  	s2 =	sadd.s32 s2, s16  }
0x8e: {  	[smem:$0x3FC3] =	sst s2  }
0x8f: {  	_ = 	snop  }
0x90: {  	(tm) =	ssettm $0x1  }
0x91: {  	s17 =	sld [smem:$0x3FFB];
	_ =	sdelay $0x3  }
0x92: {  	_ =	strace s17  }
0x93: {  	s2 =	sld [smem:$0x3FFC];
	_ =	sdelay $0x3  }
0x94: {  	_ =	strace s2  }
0x95: {  	s2 =	sld [smem:$0x3FFD];
	_ =	sdelay $0x3  }
0x96: {  	_ =	strace s2  }
0x97: {  	_ =	strace $0x8FFFFFFF  }
0x98: {  	s18 =	sld [smem:$0x3FDB];
	_ =	sdelay $0x1  }
0x99: {  	s19 =	simm.s32 $_scs_section_size  }
0x9a: {  	s4 =	simm.s32 $_size__tile_overlayer_lowered;
	s5 =	simm.s32 $_tile_overlayer_lowered  }
0x9b: {  	s22 =	simm.s32 $0x1BFF;
	s21 =	sshll.u32 s5, $0x1;
	s2 =	sadd.s32 s19, s18  }
0x9c: {  	s6 =	simm.s32 $0x0;
	s20 =	sshll.u32 s4, $0x1;
	s4 =	sadd.s32 s21, s2  }
0x9d: {  	[timem:s6], [sflag:s22] =	dma.local [hbm:s4], s20  }
0x9e: {  	_ =	swait.ge [sflag:s22], s20  }
0x9f: {  	s3 =	ssub.s32 $0x0, s20;
	[sflag:s22] =	ssyncset.done $0x0  }
0xa0: {  	[sflag:s22] =	ssyncadd.s32 s3;
	_ =	sdelay $0x1  }
0xa1: {  	s23 =	simm.s32 $0x1B8B  }
0xa2: {  	_ =	swait.ge [sflag:s23], $0x1  }
0xa3: {  	[sflag:s23] =	ssyncset.done $0x0  }
0xa4: {  	s25 =	simm.s32 $0x1B8E;
	s24 =	sld [smem:$0x3FFE];
	[sflag:s23] =	ssyncadd.s32 $0xFFFFFFFF  }
0xa5: {  	s26 =	simm.s32 $execute0_lowered;
	[smem:$0x3FD2] =	sst s25  }
0xa6: {  	s4 =	sshll.u32 s26, $0x1;
	_ =	strace $0x80000046;
	[dreg:$0x1] =	wrdreg $0xFFFFFFFF  }
0xa7: {  	s28 =	simm.s32 $_size_execute0_lowered;
	s2 =	sadd.s32 s2, s4;
	[dreg:$0x0] =	wrdreg $0x0  }
0xa8: {  	s4 =	sshll.u32 s28, $0x1;
	[dreg:$0x2] =	wrdreg s2  }
0xa9: {  	[dreg:$0x3] =	wrdreg s4  }
0xaa: {  	[dreg:$0x4] =	wrdreg $0xC0  }
0xab: {  	_ =	task [dreg:s6], $0x5FFFF  }
0xac: {  	[dreg:$0x1] =	wrdreg $0xFFFFFFFF  }
0xad: {  	[dreg:$0x0] =	wrdreg $0x60  }
0xae: {  	[dreg:$0x2] =	wrdreg s24  }
0xaf: {  	[dreg:$0x3] =	wrdreg $0x9  }
0xb0: {  	_ =	task.clear_ibuf [dreg:s6], $0x4FFFF;
	_ =	strace $0x90000046  }
0xb1: {  	s29 =	simm.s32 $0x9;
	_ =	strace $0x80000048  }
0xb2: {  	_ =	swait.ge [sflag:s29], $0x1  }
0xb3: {  	[sflag:s29] =	ssyncadd.s32 $0xFFFFFFFF  }
0xb4: {  	_ =	strace $0x90000048  }
0xb5: {  	_ =	sfence  }
0xb6: {  	s30 =	sld [smem:$0x0];
	_ =	sdelay $0x2  }
0xb7: {  	s31 =	sshll.u32 s1, $0xD;
	s1 =	sshrl.u32 s1, $0x2  }
0xb8: {  	s3 =	sand.u32 $0x4000, s31;
	s1 =	sadd.s32 s1, s30  }
0xb9: {  	s0 =	sor.u32 s3, s0;
	s1 =	sshll.u32 s1, $0x11  }
0xba: {  	s0 =	sor.u32 s1, s0  }
0xbb: {  	s0 =	sadd.s32 $0x8F2B, s0  }
0xbc: {  	[sflag:s0] =	ssyncadd.remote.s32 $0x1  }
0xbd: {  	_ =	sfence.sel $0xFFFF  }
0xbe: {  	[dreg:$0x0] =	wrdreg $0xFFFFFFFF;
	(pc) =	sbr.abs _section_cstart, $3  }
0xbf: {  	[dreg:$0x1] =	wrdreg $0xFFFFFFFF  }
0xc0: {  	_ =	task.clear_ibuf [dreg:s6], $0x2FFFF;
	_ =	strace $0x9FFFFFFF  }
0xc1: {  	(tm) =	ssettm $0x7FFFFFFF  }
tec
execute0_lowered:
.L_overlay_start_1:
0x0: {  	(tag) =	ssettag $0x1  }
0x1: {  	s0 =	stileid.u32;
	s1 =	srdreg.scid  }
0x2: {  	s10 =	rddreg [dreg:$0x0];
	s6 =	simm.s32 $0x400;
	s5 =	simm.s32 $0x2  }
0x3: {  	s9 =	simm.s32 $0x1;
	s8 =	sand.u32 $0x1, s1;
	s30 =	sshll.u32 s0, $0x1  }
0x4: {  	s2 =	sshll.u32 s0, $0x7;
	s1 =	rddreg [dreg:$0x1];
	s11 =	sor.u32 s8, s30  }
0x5: {  	s7 =	sadd.s32 $0xC00, s10;
	s3 =	sand.u32 $0x600, s2;
	s4 =	sshll.u32 s11, $0x4  }
0x6: {  	s2 =	simm.s32 $0x0;
	s3 =	sadd.s32 s3, s10;
	s4 =	sand.u32 $0x70, s4  }
0x7: {  	s12 =	ssub.s32 $0x2, s8;
	[smem:$0x7FF] =	sst s2;
	s3 =	sadd.s32 s4, s3  }
0x8: {  	_ =	strace $0x80000047;
	s4 =	simm.s32 $0x80;
	s3 =	sadd.s32 $0xC4200, s3  }
0x9: {  	[tilespmem:s2], [sflag:$0x2] =	stream.strided.gather [hbm4b:s3+s4], $0x200, s6, s4, $0x38;
	[tilespmem:$0x10200] =	vst v63  }
0xa: {  	s8 =	simm.s32 $0x200;
	s13 =	sshrl.u32 s12, $0x1;
	_ =	swait.ge [sflag:s5], $0x200  }
0xb: {  	s11 =	sshll.u32 s11, $0xD;
	s31 =	ssub.s32 s12, s13;
	[sflag:s5] =	ssyncset.done $0x0  }
0xc: {  	s10 =	sadd.s32 s11, s10;
	s11 =	smax.u32 s31, $0x1;
	[sflag:s5] =	ssyncadd.s32 $0xFFFFFE00  }
0xd: {  	[tilespmem:s8], [sflag:$0x1] =	stream.indirect.gather [hbm4b:s7+s8], $0x80, s2, s8, $0xb8;
	[tilespmem:$0x10200] =	vst v63  }
0xe: {  	p0 =	sne.s32 s11, $0x1;
	_ =	swait.ge [sflag:s9], $0x10000  }
.Ltmp0:
0xf: {  	[sflag:s9] =	ssyncset.done $0x0;
	(pc) =	sbr.rel @!p0 .LBB2_2-.Ltmp0, $4  }
0x10: {  	s10 =	sadd.s32 $0xC4A00, s10;
	[sflag:s9] =	ssyncadd.s32 $0xFFFF0000  }
0x11: {  	[hbm4b:s10+s2] =	stream.linear.scatter [tilespmem:s8], [sflag:$0x2], $0x10000, $0x38;
	[tilespmem:$0x10200] =	vst v63  }
0x12: {  	_ =	swait.ge [sflag:s5], $0x10000  }
0x13: {  	s11 =	sadd.s32 $0xFFFFFFFF, s11;
	[sflag:s5] =	ssyncset.done $0x0  }
.LBB2_1:
0x14: {  	p0 =	sne.s32 s11, $0x1;
	s11 =	sadd.s32 $0xFFFFFFFF, s11;
	[sflag:s5] =	ssyncadd.s32 $0xFFFF0000  }
0x15: {  	[tilespmem:s2], [sflag:$0x2] =	stream.strided.gather [hbm4b:s3+s4], $0x200, s6, s4, $0x38;
	[tilespmem:$0x10200] =	vst v63  }
0x16: {  	_ =	swait.ge [sflag:s5], $0x200  }
0x17: {  	[sflag:s5] =	ssyncset.done $0x0  }
0x18: {  	[sflag:s5] =	ssyncadd.s32 $0xFFFFFE00  }
0x19: {  	[tilespmem:s8], [sflag:$0x1] =	stream.indirect.gather [hbm4b:s7+s8], $0x80, s2, s8, $0xb8;
	[tilespmem:$0x10200] =	vst v63  }
0x1a: {  	_ =	swait.ge [sflag:s9], $0x10000  }
.Ltmp1:
0x1b: {  	[sflag:s9] =	ssyncset.done $0x0;
	(pc) =	sbr.rel @p0 .LBB2_1-.Ltmp1, $4  }
0x1c: {  	[sflag:s9] =	ssyncadd.s32 $0xFFFF0000  }
0x1d: {  	[hbm4b:s10+s2] =	stream.linear.scatter [tilespmem:s8], [sflag:$0x2], $0x10000, $0x38;
	[tilespmem:$0x10200] =	vst v63  }
0x1e: {  	_ =	swait.ge [sflag:s5], $0x10000  }
0x1f: {  	[sflag:s5] =	ssyncset.done $0x0  }
.LBB2_2:
0x20: {  	[sflag:s5] =	ssyncadd.s32 $0xFFFF0000  }
0x21: {  	_ =	sfence.sel $0x180000  }
0x22: {  	[bflag:$0x0] =	sbarrier.arrive $0xFFFF  }
0x23: {  	p0 =	sne.s32 s0, $0x0;
	_ =	strace $0x90000047  }
0x24: {  	s0 =	sadd.s32 @!p0 $0x100000, s1;
	[bflag:$0x2] =	sbarrier.arrive $0xFFFF  }
0x25: {  	[sflag:s0] =	ssyncadd.tile.s32 @!p0 $0x1;
	_ =	shalt  }
.Lfunc_end2:
_tile_overlayer_lowered:
.L_overlay_start_2:
0x26: {  	(tag) =	ssettag $0x2  }
0x27: {  	s0 =	rddreg [dreg:$0x0];
	s2 =	stileid.u32  }
0x28: {  	s1 =	rddreg [dreg:$0x1];
	p0 =	sne.s32 s2, $0x0  }
0x29: {  	s3 =	rddreg [dreg:$0x2];
	[bflag:$0x3] =	sbarrier.arrive $0xFFFF;
	s2 =	simm.s32 @!p0 $0x1C02  }
0x2a: {  	[timem:s3], [sflag:s2] =	dma.local @!p0 [hbm:s0], s1  }
0x2b: {  	s0 =	simm.s32 @!p0 $0x2  }
0x2c: {  	_ =	swait.ge @!p0 [sflag:s0], s1  }
0x2d: {  	s1 =	ssub.s32 @!p0 $0x0, s1;
	[sflag:s0] =	ssyncset.done @!p0 $0x0  }
0x2e: {  	[sflag:s0] =	ssyncadd.s32 @!p0 s1  }
0x2f: {  	[bflag:$0x3] =	sbarrier.arrive $0xFFFF  }
0x30: {  	_ =	shalt  }

</sc_bundles>
